<compile_context>
chip_gen: v7x
topology: tpu7x:2x2x1
jax: 0.10.2.dev20260603
libtpu: 0.0.44.dev20260713+nightly
codegen_flags: <defaults>
</compile_context>

<pallas_src>
import functools

import jax
import jax.numpy as jnp
from jax import lax
from jax.experimental import pallas as pl
from jax.experimental.pallas import tpu as pltpu
from jax.experimental.pallas import tpu_sc as plsc

NUM_FIELDS = 26
VOCAB = 100000
DIM = 16
BATCH = 16384

NC, NS, L = 2, 16, 16
NW = NC * NS
NROWS = NUM_FIELDS * DIM
PAIRS_W = NROWS // NW

_mesh = plsc.VectorSubcoreMesh(core_axis_name="c", subcore_axis_name="s")


@functools.partial(
    pl.kernel,
    mesh=_mesh,
    compiler_params=pltpu.CompilerParams(use_tc_tiling_on_sc=False),
    out_type=jax.ShapeDtypeStruct((NROWS, BATCH), jnp.float32),
    scratch_types=[
        pltpu.VMEM((2, BATCH), jnp.int32),
        pltpu.VMEM((BATCH,), jnp.float32),
        pltpu.VMEM((BATCH,), jnp.float32),
        pltpu.SemaphoreType.DMA,
        pltpu.SemaphoreType.DMA,
        pltpu.SemaphoreType.DMA,
        pltpu.SemaphoreType.DMA,
        pltpu.SemaphoreType.DMA,
    ],
)
def _embed(feat_hbm, table_hbm, out_hbm, idx_v, ga, gb,
           isem, gsem_a, gsem_b, ssem_a, ssem_b):
    wid = lax.axis_index("s") * NC + lax.axis_index("c")
    p0 = wid * PAIRS_W
    f0 = lax.shift_right_logical(p0, 4)
    f1 = lax.min(f0 + 1, NUM_FIELDS - 1)

    pltpu.async_copy(feat_hbm.at[f0], idx_v.at[0], isem)
    pltpu.async_copy(feat_hbm.at[f1], idx_v.at[1], isem)

    def idx_of(p):
        return idx_v.at[lax.shift_right_logical(p, 4) - f0]

    def fire_gather(p, buf, sem):
        pltpu.async_copy(table_hbm.at[p].at[idx_of(p)], buf, sem)

    def wait_gather(buf, sem):
        pltpu.make_async_copy(table_hbm.at[0].at[idx_v.at[0]], buf, sem).wait()

    def fire_store(p, buf, sem):
        pltpu.async_copy(buf, out_hbm.at[p], sem)

    def wait_store(buf, sem):
        pltpu.make_async_copy(buf, out_hbm.at[0], sem).wait()

    pltpu.make_async_copy(feat_hbm.at[0], idx_v.at[0], isem).wait()
    pltpu.make_async_copy(feat_hbm.at[0], idx_v.at[1], isem).wait()
    fire_gather(p0, ga, gsem_a)

    def body(i, _):
        pa = p0 + 2 * i
        pb = pa + 1
        pl.when(i > 0)(lambda: wait_store(gb, ssem_b))
        pl.when(2 * i + 1 < PAIRS_W)(lambda: fire_gather(pb, gb, gsem_b))
        wait_gather(ga, gsem_a)
        fire_store(pa, ga, ssem_a)

        @pl.when(2 * i + 1 < PAIRS_W)
        def _():
            wait_gather(gb, gsem_b)
            fire_store(pb, gb, ssem_b)

        wait_store(ga, ssem_a)

        @pl.when(2 * i + 2 < PAIRS_W)
        def _():
            fire_gather(pa + 2, ga, gsem_a)

        return 0

    lax.fori_loop(0, (PAIRS_W + 1) // 2, body, 0)
    if PAIRS_W % 2 == 0:
        wait_store(gb, ssem_b)


def kernel(features, tables):
    feat_t = features.T.astype(jnp.int32)
    tbl = tables.transpose(0, 2, 1).reshape(NROWS, VOCAB)
    out_t = _embed(feat_t, tbl)
    return out_t.T

# --- scband reference (transcript-rebuilt; emitter-appended) ---
"""Pipeline reference for scband-feature-embedder-60859686584931 (READ-ONLY COPY).

The authoritative reference and input builder live on the scoring server;
editing this copy changes nothing except your own understanding.
"""

import jax, jax.numpy as jnp
import numpy as np

NUM_FIELDS = 26
VOCAB = 100000
DIM = 16
BATCH = 16384


def setup_inputs(seed: int = 0) -> dict:
    key = jax.random.key(seed)
    k1, k2 = jax.random.split(key)
    features = jax.random.randint(k1, (BATCH, NUM_FIELDS), 0, VOCAB, dtype=jnp.int64 if jax.config.jax_enable_x64 else jnp.int32)
    # nn.Embedding default init: N(0, 1). All 26 tables share (VOCAB, DIM) so stack them.
    tables = jax.random.normal(k2, (NUM_FIELDS, VOCAB, DIM), dtype=jnp.float32)
    return {"features": features, "tables": tables}


def reference(features, tables):
    # Faithful translation: per-field embedding lookup, then concat along last dim.
    embedded_features = [jnp.take(tables[i], features[:, i], axis=0) for i in range(NUM_FIELDS)]
    return jnp.concatenate(embedded_features, axis=-1)

if __name__ == "__main__":
    import jax
    _d = setup_inputs()
    print(jax.jit(kernel)(*tuple(_d.values())))

</pallas_src>

<mosaic_0001>
#map = affine_map<(d0, d1) -> (0, 0)>
module attributes {stable_mosaic.version = 14 : i64} {
  func.func @_embed(%arg0: i32, %arg1: i32, %arg2: memref<26x16384xi32, #tpu.memory_space<hbm>>, %arg3: memref<416x100000xf32, #tpu.memory_space<hbm>>, %arg4: memref<416x16384xf32, #tpu.memory_space<hbm>>, %arg5: memref<2x16384xi32, #tpu.memory_space<vmem>>, %arg6: memref<16384xf32, #tpu.memory_space<vmem>>, %arg7: memref<16384xf32, #tpu.memory_space<vmem>>, %arg8: memref<!tpu.dma_semaphore, #tpu.memory_space<semaphore_mem>>, %arg9: memref<!tpu.dma_semaphore, #tpu.memory_space<semaphore_mem>>, %arg10: memref<!tpu.dma_semaphore, #tpu.memory_space<semaphore_mem>>, %arg11: memref<!tpu.dma_semaphore, #tpu.memory_space<semaphore_mem>>, %arg12: memref<!tpu.dma_semaphore, #tpu.memory_space<semaphore_mem>>) attributes {dimension_semantics = [#tpu.dimension_semantics<core_parallel>, #tpu.dimension_semantics<subcore_parallel>], iteration_bounds = array<i64: 2, 16>, scalar_prefetch = 0 : i64, scratch_operands = 8 : i64, tpu.core_type = #tpu.core_type<sc_vector_subcore>, window_params = [{transform_indices = #map}, {transform_indices = #map}, {transform_indices = #map}]} {
    %mul3A = arith.constant 2 : i32
    %mul3A_0 = arith.muli %arg1, %mul3A : i32
    %add3A = arith.addi %mul3A_0, %arg0 : i32
    %mul3A_1 = arith.constant 13 : i32
    %mul3A_2 = arith.muli %add3A, %mul3A_1 : i32
    %shift_right_logical3A = arith.constant 4 : i32
    %shift_right_logical3A_3 = arith.shrui %mul3A_2, %shift_right_logical3A : i32
    %add3A_4 = arith.constant 1 : i32
    %add3A_5 = arith.addi %shift_right_logical3A_3, %add3A_4 : i32
    %min3A = arith.constant 25 : i32
    %min3A_6 = arith.minsi %add3A_5, %min3A : i32
    %dma_start3A = arith.constant 0 : i32
    %dma_start3A_7 = arith.constant 0 : i32
    %dma_start3A_8 = tpu.memref_slice %arg5[%dma_start3A, %dma_start3A_7] : memref<2x16384xi32, #tpu.memory_space<vmem>> -> memref<1x16384xi32, #tpu.memory_space<vmem>>
    %dma_start3A_9 = tpu.memref_squeeze %dma_start3A_8 : memref<1x16384xi32, #tpu.memory_space<vmem>> -> memref<16384xi32, #tpu.memory_space<vmem>>
    %dma_start3A_10 = arith.constant 0 : i32
    %dma_start3A_11 = tpu.memref_slice %arg2[%shift_right_logical3A_3, %dma_start3A_10] : memref<26x16384xi32, #tpu.memory_space<hbm>> -> memref<1x16384xi32, #tpu.memory_space<hbm>>
    %dma_start3A_12 = tpu.memref_squeeze %dma_start3A_11 : memref<1x16384xi32, #tpu.memory_space<hbm>> -> memref<16384xi32, #tpu.memory_space<hbm>>
    %dma_start3A_13 = arith.constant 0 : i32
    %dma_start3A_14 = tpu.memref_slice %arg5[%dma_start3A, %dma_start3A_13] : memref<2x16384xi32, #tpu.memory_space<vmem>> -> memref<1x16384xi32, #tpu.memory_space<vmem>>
    %dma_start3A_15 = tpu.memref_squeeze %dma_start3A_14 : memref<1x16384xi32, #tpu.memory_space<vmem>> -> memref<16384xi32, #tpu.memory_space<vmem>>
    %dma_start3A_16 = arith.constant 0 : i32
    %dma_start3A_17 = tpu.memref_slice %arg2[%shift_right_logical3A_3, %dma_start3A_16] : memref<26x16384xi32, #tpu.memory_space<hbm>> -> memref<1x16384xi32, #tpu.memory_space<hbm>>
    %dma_start3A_18 = tpu.memref_squeeze %dma_start3A_17 : memref<1x16384xi32, #tpu.memory_space<hbm>> -> memref<16384xi32, #tpu.memory_space<hbm>>
    tpu.enqueue_dma source(%dma_start3A_18 : memref<16384xi32, #tpu.memory_space<hbm>>) target(%dma_start3A_15 : memref<16384xi32, #tpu.memory_space<vmem>>) target_semaphore(%arg8 : memref<!tpu.dma_semaphore, #tpu.memory_space<semaphore_mem>>)
    %dma_start3A_19 = arith.constant 1 : i32
    %dma_start3A_20 = arith.constant 0 : i32
    %dma_start3A_21 = tpu.memref_slice %arg5[%dma_start3A_19, %dma_start3A_20] : memref<2x16384xi32, #tpu.memory_space<vmem>> -> memref<1x16384xi32, #tpu.memory_space<vmem>>
    %dma_start3A_22 = tpu.memref_squeeze %dma_start3A_21 : memref<1x16384xi32, #tpu.memory_space<vmem>> -> memref<16384xi32, #tpu.memory_space<vmem>>
    %dma_start3A_23 = arith.constant 0 : i32
    %dma_start3A_24 = tpu.memref_slice %arg2[%min3A_6, %dma_start3A_23] : memref<26x16384xi32, #tpu.memory_space<hbm>> -> memref<1x16384xi32, #tpu.memory_space<hbm>>
    %dma_start3A_25 = tpu.memref_squeeze %dma_start3A_24 : memref<1x16384xi32, #tpu.memory_space<hbm>> -> memref<16384xi32, #tpu.memory_space<hbm>>
    %dma_start3A_26 = arith.constant 0 : i32
    %dma_start3A_27 = tpu.memref_slice %arg5[%dma_start3A_19, %dma_start3A_26] : memref<2x16384xi32, #tpu.memory_space<vmem>> -> memref<1x16384xi32, #tpu.memory_space<vmem>>
    %dma_start3A_28 = tpu.memref_squeeze %dma_start3A_27 : memref<1x16384xi32, #tpu.memory_space<vmem>> -> memref<16384xi32, #tpu.memory_space<vmem>>
    %dma_start3A_29 = arith.constant 0 : i32
    %dma_start3A_30 = tpu.memref_slice %arg2[%min3A_6, %dma_start3A_29] : memref<26x16384xi32, #tpu.memory_space<hbm>> -> memref<1x16384xi32, #tpu.memory_space<hbm>>
    %dma_start3A_31 = tpu.memref_squeeze %dma_start3A_30 : memref<1x16384xi32, #tpu.memory_space<hbm>> -> memref<16384xi32, #tpu.memory_space<hbm>>
    tpu.enqueue_dma source(%dma_start3A_31 : memref<16384xi32, #tpu.memory_space<hbm>>) target(%dma_start3A_28 : memref<16384xi32, #tpu.memory_space<vmem>>) target_semaphore(%arg8 : memref<!tpu.dma_semaphore, #tpu.memory_space<semaphore_mem>>)
    %dma_wait3A = arith.constant 0 : i32
    %dma_wait3A_32 = arith.constant 0 : i32
    %dma_wait3A_33 = arith.constant 0 : i32
    %dma_wait3A_34 = tpu.memref_slice %arg5[%dma_wait3A_32, %dma_wait3A_33] : memref<2x16384xi32, #tpu.memory_space<vmem>> -> memref<1x16384xi32, #tpu.memory_space<vmem>>
    %dma_wait3A_35 = tpu.memref_squeeze %dma_wait3A_34 : memref<1x16384xi32, #tpu.memory_space<vmem>> -> memref<16384xi32, #tpu.memory_space<vmem>>
    %dma_wait3A_36 = arith.constant 0 : i32
    %dma_wait3A_37 = tpu.memref_slice %arg2[%dma_wait3A, %dma_wait3A_36] : memref<26x16384xi32, #tpu.memory_space<hbm>> -> memref<1x16384xi32, #tpu.memory_space<hbm>>
    %dma_wait3A_38 = tpu.memref_squeeze %dma_wait3A_37 : memref<1x16384xi32, #tpu.memory_space<hbm>> -> memref<16384xi32, #tpu.memory_space<hbm>>
    %dma_wait3A_39 = arith.constant 0 : i32
    %dma_wait3A_40 = tpu.memref_slice %arg5[%dma_wait3A_32, %dma_wait3A_39] : memref<2x16384xi32, #tpu.memory_space<vmem>> -> memref<1x16384xi32, #tpu.memory_space<vmem>>
    %dma_wait3A_41 = tpu.memref_squeeze %dma_wait3A_40 : memref<1x16384xi32, #tpu.memory_space<vmem>> -> memref<16384xi32, #tpu.memory_space<vmem>>
    %dma_wait3A_42 = arith.constant 0 : i32
    %dma_wait3A_43 = tpu.memref_slice %arg2[%dma_wait3A, %dma_wait3A_42] : memref<26x16384xi32, #tpu.memory_space<hbm>> -> memref<1x16384xi32, #tpu.memory_space<hbm>>
    %dma_wait3A_44 = tpu.memref_squeeze %dma_wait3A_43 : memref<1x16384xi32, #tpu.memory_space<hbm>> -> memref<16384xi32, #tpu.memory_space<hbm>>
    tpu.wait_dma2 semaphore(%arg8 : memref<!tpu.dma_semaphore, #tpu.memory_space<semaphore_mem>>) src(%dma_wait3A_44 : memref<16384xi32, #tpu.memory_space<hbm>>) dst(%dma_wait3A_41 : memref<16384xi32, #tpu.memory_space<vmem>>)
    %dma_wait3A_45 = arith.constant 0 : i32
    %dma_wait3A_46 = arith.constant 1 : i32
    %dma_wait3A_47 = arith.constant 0 : i32
    %dma_wait3A_48 = tpu.memref_slice %arg5[%dma_wait3A_46, %dma_wait3A_47] : memref<2x16384xi32, #tpu.memory_space<vmem>> -> memref<1x16384xi32, #tpu.memory_space<vmem>>
    %dma_wait3A_49 = tpu.memref_squeeze %dma_wait3A_48 : memref<1x16384xi32, #tpu.memory_space<vmem>> -> memref<16384xi32, #tpu.memory_space<vmem>>
    %dma_wait3A_50 = arith.constant 0 : i32
    %dma_wait3A_51 = tpu.memref_slice %arg2[%dma_wait3A_45, %dma_wait3A_50] : memref<26x16384xi32, #tpu.memory_space<hbm>> -> memref<1x16384xi32, #tpu.memory_space<hbm>>
    %dma_wait3A_52 = tpu.memref_squeeze %dma_wait3A_51 : memref<1x16384xi32, #tpu.memory_space<hbm>> -> memref<16384xi32, #tpu.memory_space<hbm>>
    %dma_wait3A_53 = arith.constant 0 : i32
    %dma_wait3A_54 = tpu.memref_slice %arg5[%dma_wait3A_46, %dma_wait3A_53] : memref<2x16384xi32, #tpu.memory_space<vmem>> -> memref<1x16384xi32, #tpu.memory_space<vmem>>
    %dma_wait3A_55 = tpu.memref_squeeze %dma_wait3A_54 : memref<1x16384xi32, #tpu.memory_space<vmem>> -> memref<16384xi32, #tpu.memory_space<vmem>>
    %dma_wait3A_56 = arith.constant 0 : i32
    %dma_wait3A_57 = tpu.memref_slice %arg2[%dma_wait3A_45, %dma_wait3A_56] : memref<26x16384xi32, #tpu.memory_space<hbm>> -> memref<1x16384xi32, #tpu.memory_space<hbm>>
    %dma_wait3A_58 = tpu.memref_squeeze %dma_wait3A_57 : memref<1x16384xi32, #tpu.memory_space<hbm>> -> memref<16384xi32, #tpu.memory_space<hbm>>
    tpu.wait_dma2 semaphore(%arg8 : memref<!tpu.dma_semaphore, #tpu.memory_space<semaphore_mem>>) src(%dma_wait3A_58 : memref<16384xi32, #tpu.memory_space<hbm>>) dst(%dma_wait3A_55 : memref<16384xi32, #tpu.memory_space<vmem>>)
    %shift_right_logical3A_59 = arith.constant 4 : i32
    %shift_right_logical3A_60 = arith.shrui %mul3A_2, %shift_right_logical3A_59 : i32
    %sub3A = arith.subi %shift_right_logical3A_60, %shift_right_logical3A_3 : i32
    %dma_start3A_61 = arith.constant 0 : i32
    %dma_start3A_62 = tpu.memref_slice %arg5[%sub3A, %dma_start3A_61] : memref<2x16384xi32, #tpu.memory_space<vmem>> -> memref<1x16384xi32, #tpu.memory_space<vmem>>
    %dma_start3A_63 = tpu.memref_squeeze %dma_start3A_62 : memref<1x16384xi32, #tpu.memory_space<vmem>> -> memref<16384xi32, #tpu.memory_space<vmem>>
    %dma_start3A_64 = arith.constant 0 : i32
    %dma_start3A_65 = tpu.memref_slice %arg3[%mul3A_2, %dma_start3A_64] : memref<416x100000xf32, #tpu.memory_space<hbm>> -> memref<1x100000xf32, #tpu.memory_space<hbm>>
    %dma_start3A_66 = tpu.memref_squeeze %dma_start3A_65 : memref<1x100000xf32, #tpu.memory_space<hbm>> -> memref<100000xf32, #tpu.memory_space<hbm>>
    %dma_start3A_67 = arith.constant 0 : i32
    %dma_start3A_68 = tpu.memref_slice %dma_start3A_66[%dma_start3A_67] : memref<100000xf32, #tpu.memory_space<hbm>> -> memref<100000xf32, #tpu.memory_space<hbm>>
    tpu.enqueue_indirect_dma source(%dma_start3A_68 : memref<100000xf32, #tpu.memory_space<hbm>>) target(%arg6 : memref<16384xf32, #tpu.memory_space<vmem>>) offsets(%dma_start3A_63 : memref<16384xi32, #tpu.memory_space<vmem>>) semaphore(%arg9 : memref<!tpu.dma_semaphore, #tpu.memory_space<semaphore_mem>>)
    %scan3A = arith.constant 0 : i32
    %scan3A_69 = arith.constant 0 : i32
    %scan3A_70 = arith.constant 7 : i32
    %scan3A_71 = arith.addi %scan3A_69, %scan3A_70 : i32
    %scan3A_72 = arith.constant 1 : i32
    %scan3A_73 = scf.for %scan3A_75 = %scan3A_69 to %scan3A_71 step %scan3A_72 iter_args(%scan3A_76 = %scan3A) -> (i32)  : i32 {
      %mul3A_77 = arith.constant 2 : i32
      %mul3A_78 = arith.muli %mul3A_77, %scan3A_75 : i32
      %add3A_79 = arith.addi %mul3A_2, %mul3A_78 : i32
      %add3A_80 = arith.constant 1 : i32
      %add3A_81 = arith.addi %add3A_79, %add3A_80 : i32
      %gt3A = arith.constant 0 : i32
      %gt3A_82 = arith.cmpi sgt, %scan3A_75, %gt3A : i32
      %convert_element_type3A = arith.extui %gt3A_82 : i1 to i32
      %cond3A = arith.constant 0 : i32
      %cond3A_83 = arith.cmpi ne, %convert_element_type3A, %cond3A : i32
      scf.if %cond3A_83 {
        %dma_wait3A_134 = arith.constant 0 : i32
        %dma_wait3A_135 = arith.constant 0 : i32
        %dma_wait3A_136 = tpu.memref_slice %arg4[%dma_wait3A_134, %dma_wait3A_135] : memref<416x16384xf32, #tpu.memory_space<hbm>> -> memref<1x16384xf32, #tpu.memory_space<hbm>>
        %dma_wait3A_137 = tpu.memref_squeeze %dma_wait3A_136 : memref<1x16384xf32, #tpu.memory_space<hbm>> -> memref<16384xf32, #tpu.memory_space<hbm>>
        %dma_wait3A_138 = arith.constant 0 : i32
        %dma_wait3A_139 = tpu.memref_slice %arg4[%dma_wait3A_134, %dma_wait3A_138] : memref<416x16384xf32, #tpu.memory_space<hbm>> -> memref<1x16384xf32, #tpu.memory_space<hbm>>
        %dma_wait3A_140 = tpu.memref_squeeze %dma_wait3A_139 : memref<1x16384xf32, #tpu.memory_space<hbm>> -> memref<16384xf32, #tpu.memory_space<hbm>>
        tpu.wait_dma2 semaphore(%arg12 : memref<!tpu.dma_semaphore, #tpu.memory_space<semaphore_mem>>) src(%arg7 : memref<16384xf32, #tpu.memory_space<vmem>>) dst(%dma_wait3A_140 : memref<16384xf32, #tpu.memory_space<hbm>>)
      } else {
      }
      %mul3A_84 = arith.constant 2 : i32
      %mul3A_85 = arith.muli %mul3A_84, %scan3A_75 : i32
      %add3A_86 = arith.constant 1 : i32
      %add3A_87 = arith.addi %mul3A_85, %add3A_86 : i32
      %lt3A = arith.constant 13 : i32
      %lt3A_88 = arith.cmpi slt, %add3A_87, %lt3A : i32
      %convert_element_type3A_89 = arith.extui %lt3A_88 : i1 to i32
      %cond3A_90 = arith.constant 0 : i32
      %cond3A_91 = arith.cmpi ne, %convert_element_type3A_89, %cond3A_90 : i32
      scf.if %cond3A_91 {
        %shift_right_logical3A_134 = arith.constant 4 : i32
        %shift_right_logical3A_135 = arith.shrui %add3A_81, %shift_right_logical3A_134 : i32
        %sub3A_136 = arith.subi %shift_right_logical3A_135, %shift_right_logical3A_3 : i32
        %dma_start3A_137 = arith.constant 0 : i32
        %dma_start3A_138 = tpu.memref_slice %arg5[%sub3A_136, %dma_start3A_137] : memref<2x16384xi32, #tpu.memory_space<vmem>> -> memref<1x16384xi32, #tpu.memory_space<vmem>>
        %dma_start3A_139 = tpu.memref_squeeze %dma_start3A_138 : memref<1x16384xi32, #tpu.memory_space<vmem>> -> memref<16384xi32, #tpu.memory_space<vmem>>
        %dma_start3A_140 = arith.constant 0 : i32
        %dma_start3A_141 = tpu.memref_slice %arg3[%add3A_81, %dma_start3A_140] : memref<416x100000xf32, #tpu.memory_space<hbm>> -> memref<1x100000xf32, #tpu.memory_space<hbm>>
        %dma_start3A_142 = tpu.memref_squeeze %dma_start3A_141 : memref<1x100000xf32, #tpu.memory_space<hbm>> -> memref<100000xf32, #tpu.memory_space<hbm>>
        %dma_start3A_143 = arith.constant 0 : i32
        %dma_start3A_144 = tpu.memref_slice %dma_start3A_142[%dma_start3A_143] : memref<100000xf32, #tpu.memory_space<hbm>> -> memref<100000xf32, #tpu.memory_space<hbm>>
        tpu.enqueue_indirect_dma source(%dma_start3A_144 : memref<100000xf32, #tpu.memory_space<hbm>>) target(%arg7 : memref<16384xf32, #tpu.memory_space<vmem>>) offsets(%dma_start3A_139 : memref<16384xi32, #tpu.memory_space<vmem>>) semaphore(%arg10 : memref<!tpu.dma_semaphore, #tpu.memory_space<semaphore_mem>>)
      } else {
      }
      %dma_wait3A_92 = arith.constant 0 : i32
      %dma_wait3A_93 = arith.constant 0 : i32
      %dma_wait3A_94 = arith.constant 0 : i32
      %dma_wait3A_95 = tpu.memref_slice %arg5[%dma_wait3A_93, %dma_wait3A_94] : memref<2x16384xi32, #tpu.memory_space<vmem>> -> memref<1x16384xi32, #tpu.memory_space<vmem>>
      %dma_wait3A_96 = tpu.memref_squeeze %dma_wait3A_95 : memref<1x16384xi32, #tpu.memory_space<vmem>> -> memref<16384xi32, #tpu.memory_space<vmem>>
      %dma_wait3A_97 = arith.constant 0 : i32
      %dma_wait3A_98 = tpu.memref_slice %arg3[%dma_wait3A_92, %dma_wait3A_97] : memref<416x100000xf32, #tpu.memory_space<hbm>> -> memref<1x100000xf32, #tpu.memory_space<hbm>>
      %dma_wait3A_99 = tpu.memref_squeeze %dma_wait3A_98 : memref<1x100000xf32, #tpu.memory_space<hbm>> -> memref<100000xf32, #tpu.memory_space<hbm>>
      %dma_wait3A_100 = arith.constant 0 : i32
      %dma_wait3A_101 = tpu.memref_slice %dma_wait3A_99[%dma_wait3A_100] : memref<100000xf32, #tpu.memory_space<hbm>> -> memref<100000xf32, #tpu.memory_space<hbm>>
      tpu.wait_indirect_dma semaphore(%arg9 : memref<!tpu.dma_semaphore, #tpu.memory_space<semaphore_mem>>) src(%dma_wait3A_101 : memref<100000xf32, #tpu.memory_space<hbm>>) dst(%arg6 : memref<16384xf32, #tpu.memory_space<vmem>>)
      %dma_start3A_102 = arith.constant 0 : i32
      %dma_start3A_103 = tpu.memref_slice %arg4[%add3A_79, %dma_start3A_102] : memref<416x16384xf32, #tpu.memory_space<hbm>> -> memref<1x16384xf32, #tpu.memory_space<hbm>>
      %dma_start3A_104 = tpu.memref_squeeze %dma_start3A_103 : memref<1x16384xf32, #tpu.memory_space<hbm>> -> memref<16384xf32, #tpu.memory_space<hbm>>
      %dma_start3A_105 = arith.constant 0 : i32
      %dma_start3A_106 = tpu.memref_slice %arg4[%add3A_79, %dma_start3A_105] : memref<416x16384xf32, #tpu.memory_space<hbm>> -> memref<1x16384xf32, #tpu.memory_space<hbm>>
      %dma_start3A_107 = tpu.memref_squeeze %dma_start3A_106 : memref<1x16384xf32, #tpu.memory_space<hbm>> -> memref<16384xf32, #tpu.memory_space<hbm>>
      tpu.enqueue_dma source(%arg6 : memref<16384xf32, #tpu.memory_space<vmem>>) target(%dma_start3A_107 : memref<16384xf32, #tpu.memory_space<hbm>>) target_semaphore(%arg11 : memref<!tpu.dma_semaphore, #tpu.memory_space<semaphore_mem>>)
      %mul3A_108 = arith.constant 2 : i32
      %mul3A_109 = arith.muli %mul3A_108, %scan3A_75 : i32
      %add3A_110 = arith.constant 1 : i32
      %add3A_111 = arith.addi %mul3A_109, %add3A_110 : i32
      %lt3A_112 = arith.constant 13 : i32
      %lt3A_113 = arith.cmpi slt, %add3A_111, %lt3A_112 : i32
      %convert_element_type3A_114 = arith.extui %lt3A_113 : i1 to i32
      %cond3A_115 = arith.constant 0 : i32
      %cond3A_116 = arith.cmpi ne, %convert_element_type3A_114, %cond3A_115 : i32
      scf.if %cond3A_116 {
        %dma_wait3A_134 = arith.constant 0 : i32
        %dma_wait3A_135 = arith.constant 0 : i32
        %dma_wait3A_136 = arith.constant 0 : i32
        %dma_wait3A_137 = tpu.memref_slice %arg5[%dma_wait3A_135, %dma_wait3A_136] : memref<2x16384xi32, #tpu.memory_space<vmem>> -> memref<1x16384xi32, #tpu.memory_space<vmem>>
        %dma_wait3A_138 = tpu.memref_squeeze %dma_wait3A_137 : memref<1x16384xi32, #tpu.memory_space<vmem>> -> memref<16384xi32, #tpu.memory_space<vmem>>
        %dma_wait3A_139 = arith.constant 0 : i32
        %dma_wait3A_140 = tpu.memref_slice %arg3[%dma_wait3A_134, %dma_wait3A_139] : memref<416x100000xf32, #tpu.memory_space<hbm>> -> memref<1x100000xf32, #tpu.memory_space<hbm>>
        %dma_wait3A_141 = tpu.memref_squeeze %dma_wait3A_140 : memref<1x100000xf32, #tpu.memory_space<hbm>> -> memref<100000xf32, #tpu.memory_space<hbm>>
        %dma_wait3A_142 = arith.constant 0 : i32
        %dma_wait3A_143 = tpu.memref_slice %dma_wait3A_141[%dma_wait3A_142] : memref<100000xf32, #tpu.memory_space<hbm>> -> memref<100000xf32, #tpu.memory_space<hbm>>
        tpu.wait_indirect_dma semaphore(%arg10 : memref<!tpu.dma_semaphore, #tpu.memory_space<semaphore_mem>>) src(%dma_wait3A_143 : memref<100000xf32, #tpu.memory_space<hbm>>) dst(%arg7 : memref<16384xf32, #tpu.memory_space<vmem>>)
        %dma_start3A_144 = arith.constant 0 : i32
        %dma_start3A_145 = tpu.memref_slice %arg4[%add3A_81, %dma_start3A_144] : memref<416x16384xf32, #tpu.memory_space<hbm>> -> memref<1x16384xf32, #tpu.memory_space<hbm>>
        %dma_start3A_146 = tpu.memref_squeeze %dma_start3A_145 : memref<1x16384xf32, #tpu.memory_space<hbm>> -> memref<16384xf32, #tpu.memory_space<hbm>>
        %dma_start3A_147 = arith.constant 0 : i32
        %dma_start3A_148 = tpu.memref_slice %arg4[%add3A_81, %dma_start3A_147] : memref<416x16384xf32, #tpu.memory_space<hbm>> -> memref<1x16384xf32, #tpu.memory_space<hbm>>
        %dma_start3A_149 = tpu.memref_squeeze %dma_start3A_148 : memref<1x16384xf32, #tpu.memory_space<hbm>> -> memref<16384xf32, #tpu.memory_space<hbm>>
        tpu.enqueue_dma source(%arg7 : memref<16384xf32, #tpu.memory_space<vmem>>) target(%dma_start3A_149 : memref<16384xf32, #tpu.memory_space<hbm>>) target_semaphore(%arg12 : memref<!tpu.dma_semaphore, #tpu.memory_space<semaphore_mem>>)
      } else {
      }
      %dma_wait3A_117 = arith.constant 0 : i32
      %dma_wait3A_118 = arith.constant 0 : i32
      %dma_wait3A_119 = tpu.memref_slice %arg4[%dma_wait3A_117, %dma_wait3A_118] : memref<416x16384xf32, #tpu.memory_space<hbm>> -> memref<1x16384xf32, #tpu.memory_space<hbm>>
      %dma_wait3A_120 = tpu.memref_squeeze %dma_wait3A_119 : memref<1x16384xf32, #tpu.memory_space<hbm>> -> memref<16384xf32, #tpu.memory_space<hbm>>
      %dma_wait3A_121 = arith.constant 0 : i32
      %dma_wait3A_122 = tpu.memref_slice %arg4[%dma_wait3A_117, %dma_wait3A_121] : memref<416x16384xf32, #tpu.memory_space<hbm>> -> memref<1x16384xf32, #tpu.memory_space<hbm>>
      %dma_wait3A_123 = tpu.memref_squeeze %dma_wait3A_122 : memref<1x16384xf32, #tpu.memory_space<hbm>> -> memref<16384xf32, #tpu.memory_space<hbm>>
      tpu.wait_dma2 semaphore(%arg11 : memref<!tpu.dma_semaphore, #tpu.memory_space<semaphore_mem>>) src(%arg6 : memref<16384xf32, #tpu.memory_space<vmem>>) dst(%dma_wait3A_123 : memref<16384xf32, #tpu.memory_space<hbm>>)
      %mul3A_124 = arith.constant 2 : i32
      %mul3A_125 = arith.muli %mul3A_124, %scan3A_75 : i32
      %add3A_126 = arith.constant 2 : i32
      %add3A_127 = arith.addi %mul3A_125, %add3A_126 : i32
      %lt3A_128 = arith.constant 13 : i32
      %lt3A_129 = arith.cmpi slt, %add3A_127, %lt3A_128 : i32
      %convert_element_type3A_130 = arith.extui %lt3A_129 : i1 to i32
      %cond3A_131 = arith.constant 0 : i32
      %cond3A_132 = arith.cmpi ne, %convert_element_type3A_130, %cond3A_131 : i32
      scf.if %cond3A_132 {
        %add3A_134 = arith.constant 2 : i32
        %add3A_135 = arith.addi %add3A_79, %add3A_134 : i32
        %shift_right_logical3A_136 = arith.constant 4 : i32
        %shift_right_logical3A_137 = arith.shrui %add3A_135, %shift_right_logical3A_136 : i32
        %sub3A_138 = arith.subi %shift_right_logical3A_137, %shift_right_logical3A_3 : i32
        %dma_start3A_139 = arith.constant 0 : i32
        %dma_start3A_140 = tpu.memref_slice %arg5[%sub3A_138, %dma_start3A_139] : memref<2x16384xi32, #tpu.memory_space<vmem>> -> memref<1x16384xi32, #tpu.memory_space<vmem>>
        %dma_start3A_141 = tpu.memref_squeeze %dma_start3A_140 : memref<1x16384xi32, #tpu.memory_space<vmem>> -> memref<16384xi32, #tpu.memory_space<vmem>>
        %dma_start3A_142 = arith.constant 0 : i32
        %dma_start3A_143 = tpu.memref_slice %arg3[%add3A_135, %dma_start3A_142] : memref<416x100000xf32, #tpu.memory_space<hbm>> -> memref<1x100000xf32, #tpu.memory_space<hbm>>
        %dma_start3A_144 = tpu.memref_squeeze %dma_start3A_143 : memref<1x100000xf32, #tpu.memory_space<hbm>> -> memref<100000xf32, #tpu.memory_space<hbm>>
        %dma_start3A_145 = arith.constant 0 : i32
        %dma_start3A_146 = tpu.memref_slice %dma_start3A_144[%dma_start3A_145] : memref<100000xf32, #tpu.memory_space<hbm>> -> memref<100000xf32, #tpu.memory_space<hbm>>
        tpu.enqueue_indirect_dma source(%dma_start3A_146 : memref<100000xf32, #tpu.memory_space<hbm>>) target(%arg6 : memref<16384xf32, #tpu.memory_space<vmem>>) offsets(%dma_start3A_141 : memref<16384xi32, #tpu.memory_space<vmem>>) semaphore(%arg9 : memref<!tpu.dma_semaphore, #tpu.memory_space<semaphore_mem>>)
      } else {
      }
      %scan3A_133 = arith.constant 0 : i32
      scf.yield %scan3A_133 : i32
    }
    %scan3A_74 = arith.constant 7 : i32
    return
  }
}

</mosaic_0001>

<sc_bundles>
// kernel: kernel.3.cloned.1.call-start
scs
__scs_entry_jumppad:
0x0: {  	(pc) =	sbr.rel $0x88, $3  }
0x1: {  	(tag) =	ssettag $0x0;
	lr =	simm.s32 $0x1  }
0x2: {  	[smem:$0x3F9F] =	sst lr;
	_ =	strace $0xD0000000  }
0x3: {  	_ = 	snop  }
0x4: {  	_ = 	snop  }
0x5: {  	_ = 	snop  }
0x6: {  	_ = 	snop  }
0x7: {  	_ = 	snop  }
__scs_overlays_trampoline_lowered:
0x8: {  	[smem:$0x3FAE] =	sst s0  }
0x9: {  	[smem:$0x3FAF] =	sst s1  }
0xa: {  	[smem:$0x3FB0] =	sst s2  }
0xb: {  	[smem:$0x3FB1] =	sst s3  }
0xc: {  	[smem:$0x3FB2] =	sst s4  }
0xd: {  	[smem:$0x3FB3] =	sst s5  }
0xe: {  	[smem:$0x3FB4] =	sst s6  }
0xf: {  	[smem:$0x3FB5] =	sst s7  }
0x10: {  	[smem:$0x3FB6] =	sst s8  }
0x11: {  	[smem:$0x3FB7] =	sst s9;
	s0 =	simm.s32 @!p0 $0x0  }
0x12: {  	s1 =	sld [smem:$0x3F9D];
	s0 =	simm.s32 @p0 $0x1  }
0x13: {  	[smem:$0x3FB8] =	sst s0;
	s0 =	simm.s32 @!p1 $0x0  }
0x14: {  	s2 =	sld [smem:$0x3F9C];
	s0 =	simm.s32 @p1 $0x1  }
0x15: {  	[smem:$0x3FB9] =	sst s0;
	s0 =	simm.s32 @!p2 $0x0  }
0x16: {  	s3 =	sld [smem:$0x3FDB];
	s0 =	simm.s32 @p2 $0x1  }
0x17: {  	s4 =	simm.s32 $0x1BF5;
	[smem:$0x3FBB] =	sst s0  }
0x18: {  	s0 =	sld [smem:$0x3F9E];
	_ =	swait.ge [sflag:s4], $0x0  }
0x19: {  	s7 =	sld [smem:$0x3F9F]  }
0x1a: {  	s8 =	sadd.s32 $0xFFFFE003, lr  }
0x1b: {  	s9 =	sadd.s32 $0xFFFFFEF7, lr;
	s5 =	simm.s32 $0xFFFFFFFF;
	p2 =	slt.u32 s8, $0xFFFFF086  }
0x1c: {  	p1 =	slt.u32 s9, $0xF7A;
	s5 =	simm.s32 @!p2 $0x0  }
0x1d: {  	s5 =	simm.s32 @p1 $0x1;
	p0 =	seq.s32 s7, s2  }
0x1e: {  	s7 =	smul.u32 @!p0 $0xF7A, s2;
	p2 =	seq.s32 @!p0 s5, $0x0  }
0x1f: {  	s9 =	smul.u32 $0xF7A, s1;
	s8 =	simm.s32 @!p0 $0x1BF5;
	p2 =	por !p2, p0  }
0x20: {  	[sflag:s8] =	ssyncset.s32 @!p0 $0xFFFFF086;
	s6 =	sadd.s32 @!p0 s3, s7;
	s7 =	simm.s32 @!p0 $0x108  }
0x21: {  	s3 =	sadd.s32 s3, s9;
	s6 =	sadd.s32 @!p0 $0x88, s6;
	s7 =	simm.s32 @p2 $0x1082  }
0x22: {  	[simem:s7], [sflag:s8] =	dma.local @!p0 [hbm:s6], $0xF7A  }
0x23: {  	s9 =	sor.u32 $0xD0000000, s2;
	s6 =	simm.s32 $0x108;
	_ =	swait.ge @!p0 [sflag:s8], $0x0  }
0x24: {  	s3 =	sadd.s32 $0x88, s3;
	s6 =	simm.s32 @!p1 $0x1082;
	[sflag:s4] =	ssyncset.s32 $0xFFFFF086  }
0x25: {  	[simem:s6], [sflag:s4] =	dma.local [hbm:s3], $0xF7A  }
0x26: {  	[smem:$0x3F9F] =	sst s1;
	(tag) =	ssettag s2;
	_ =	strace s9  }
0x27: {  	s1 =	sld [smem:$0x3FAF]  }
0x28: {  	s2 =	sld [smem:$0x3FB0]  }
0x29: {  	s4 =	sld [smem:$0x3FB2]  }
0x2a: {  	p0 =	seq.s32 s5, $0x0;
	s5 =	sld [smem:$0x3FB3]  }
0x2b: {  	s6 =	sld [smem:$0x3FB4]  }
0x2c: {  	s7 =	sld [smem:$0x3FB5]  }
0x2d: {  	s3 =	simm.s32 $0x108;
	s8 =	sld [smem:$0x3FB6]  }
0x2e: {  	s3 =	simm.s32 @!p0 $0x1082;
	s9 =	sld [smem:$0x3FB7]  }
0x2f: {  	lr =	sadd.s32 s0, s3;
	s0 =	sld [smem:$0x3FAE]  }
0x30: {  	s3 =	sld [smem:$0x3FB1]  }
0x31: {  	[smem:$0x3FBA] =	sst s10  }
0x32: {  	s10 =	sld [smem:$0x3FB8];
	_ =	sdelay $0x3  }
0x33: {  	p0 =	seq.s32 s10, $0x1;
	s10 =	sld [smem:$0x3FBA];
	_ =	sdelay $0x3  }
0x34: {  	[smem:$0x3FBA] =	sst s10  }
0x35: {  	s10 =	sld [smem:$0x3FB9];
	_ =	sdelay $0x3  }
0x36: {  	p1 =	seq.s32 s10, $0x1;
	s10 =	sld [smem:$0x3FBA];
	_ =	sdelay $0x3  }
0x37: {  	[smem:$0x3FBA] =	sst s10  }
0x38: {  	s10 =	sld [smem:$0x3FBB]  }
0x39: {  	_ = 	snop;
	(pc) =	sbr.ind lr, $3  }
0x3a: {  	_ = 	snop  }
0x3b: {  	_ = 	snop  }
0x3c: {  	p2 =	seq.s32 s10, $0x1;
	s10 =	sld [smem:$0x3FBA]  }
0x3d: {  	_ =	shalt  }
0x3e: {  	_ =	shalt  }
0x3f: {  	_ =	shalt  }
0x40: {  	_ =	shalt  }
0x41: {  	_ =	shalt  }
0x42: {  	_ =	shalt  }
0x43: {  	_ =	shalt  }
0x44: {  	_ =	shalt  }
0x45: {  	_ =	shalt  }
0x46: {  	_ =	shalt  }
0x47: {  	_ =	shalt  }
0x48: {  	_ =	shalt  }
0x49: {  	_ =	shalt  }
0x4a: {  	_ =	shalt  }
0x4b: {  	_ =	shalt  }
0x4c: {  	_ =	shalt  }
0x4d: {  	_ =	shalt  }
0x4e: {  	_ =	shalt  }
0x4f: {  	_ =	shalt  }
0x50: {  	_ =	shalt  }
0x51: {  	_ =	shalt  }
0x52: {  	_ =	shalt  }
0x53: {  	_ =	shalt  }
0x54: {  	_ =	shalt  }
0x55: {  	_ =	shalt  }
0x56: {  	_ =	shalt  }
0x57: {  	_ =	shalt  }
0x58: {  	_ =	shalt  }
0x59: {  	_ =	shalt  }
0x5a: {  	_ =	shalt  }
0x5b: {  	_ =	shalt  }
0x5c: {  	_ =	shalt  }
0x5d: {  	_ =	shalt  }
0x5e: {  	_ =	shalt  }
0x5f: {  	_ =	shalt  }
0x60: {  	_ =	shalt  }
0x61: {  	_ =	shalt  }
0x62: {  	_ =	shalt  }
0x63: {  	_ =	shalt  }
0x64: {  	_ =	shalt  }
0x65: {  	_ =	shalt  }
0x66: {  	_ =	shalt  }
0x67: {  	_ =	shalt  }
0x68: {  	_ =	shalt  }
0x69: {  	_ =	shalt  }
0x6a: {  	_ =	shalt  }
0x6b: {  	_ =	shalt  }
0x6c: {  	_ =	shalt  }
0x6d: {  	_ =	shalt  }
0x6e: {  	_ =	shalt  }
0x6f: {  	_ =	shalt  }
0x70: {  	_ =	shalt  }
0x71: {  	_ =	shalt  }
0x72: {  	_ =	shalt  }
0x73: {  	_ =	shalt  }
0x74: {  	_ =	shalt  }
0x75: {  	_ =	shalt  }
0x76: {  	_ =	shalt  }
0x77: {  	_ =	shalt  }
0x78: {  	_ =	shalt  }
0x79: {  	_ =	shalt  }
0x7a: {  	_ =	shalt  }
0x7b: {  	_ =	shalt  }
0x7c: {  	_ =	shalt  }
0x7d: {  	_ =	shalt  }
0x7e: {  	_ =	shalt  }
0x7f: {  	_ =	shalt  }
0x80: {  	_ =	shalt  }
0x81: {  	_ =	shalt  }
0x82: {  	_ =	shalt  }
0x83: {  	_ =	shalt  }
0x84: {  	_ =	shalt  }
0x85: {  	_ =	shalt  }
0x86: {  	_ =	shalt  }
0x87: {  	_ =	shalt  }
.Lfunc_end0:
.L_simem_size_0:
called_computation_lowered:
.L_overlay_start_0:
0x88: {  	s2 =	sld [smem:$0x3FD9]  }
0x89: {  	s3 =	sld [smem:$0x3FFE];
	_ =	sdelay $0x1  }
0x8a: {  	s1 =	srdreg.scid  }
0x8b: {  	s0 =	sand.u32 $0x1, s1  }
0x8c: {  	s17 =	sshll.u32 s0, $0xA;
	s2 =	sadd.s32 s3, s2  }
0x8d: {  	s2 =	sadd.s32 s2, s17  }
0x8e: {  	[smem:$0x3FC6] =	sst s2  }
0x8f: {  	_ = 	snop  }
0x90: {  	s2 =	sld [smem:$0x3FD0];
	(tm) =	ssettm $0x1  }
0x91: {  	s18 =	sld [smem:$0x3FFB];
	_ =	sdelay $0x3  }
0x92: {  	_ =	strace s18  }
0x93: {  	s3 =	sld [smem:$0x3FFC];
	_ =	sdelay $0x3  }
0x94: {  	_ =	strace s3  }
0x95: {  	s3 =	sld [smem:$0x3FFD];
	_ =	sdelay $0x3  }
0x96: {  	_ =	strace s3  }
0x97: {  	_ =	strace $0x8FFFFFFF  }
0x98: {  	s19 =	sld [smem:$0x3FDB];
	_ =	sdelay $0x1  }
0x99: {  	s4 =	simm.s32 $_scs_section_size  }
0x9a: {  	s5 =	simm.s32 $_size__tile_overlayer_lowered;
	s6 =	simm.s32 $_tile_overlayer_lowered  }
0x9b: {  	s22 =	simm.s32 $0x1BFF;
	s21 =	sshll.u32 s6, $0x1;
	s3 =	sadd.s32 s4, s19  }
0x9c: {  	s7 =	simm.s32 $0x0;
	s20 =	sshll.u32 s5, $0x1;
	s5 =	sadd.s32 s21, s3  }
0x9d: {  	[timem:s7], [sflag:s22] =	dma.local [hbm:s5], s20  }
0x9e: {  	_ =	swait.ge [sflag:s22], s20  }
0x9f: {  	s4 =	ssub.s32 $0x0, s20;
	[sflag:s22] =	ssyncset.done $0x0  }
0xa0: {  	[sflag:s22] =	ssyncadd.s32 s4;
	_ =	sdelay $0x1  }
0xa1: {  	s23 =	simm.s32 $0x1B8B  }
0xa2: {  	_ =	swait.ge [sflag:s23], $0x1  }
0xa3: {  	[sflag:s23] =	ssyncset.done $0x0  }
0xa4: {  	s25 =	simm.s32 $0x1B8E;
	s24 =	sld [smem:$0x3FFE];
	[sflag:s23] =	ssyncadd.s32 $0xFFFFFFFF  }
0xa5: {  	s26 =	simm.s32 $execute0_lowered;
	[smem:$0x3FD2] =	sst s25  }
0xa6: {  	s5 =	sshll.u32 s26, $0x1;
	_ =	strace $0x80000046;
	[dreg:$0x1] =	wrdreg $0xFFFFFFFF  }
0xa7: {  	s28 =	simm.s32 $_size_execute0_lowered;
	s3 =	sadd.s32 s3, s5;
	[dreg:$0x0] =	wrdreg $0x0  }
0xa8: {  	s5 =	sshll.u32 s28, $0x1;
	[dreg:$0x2] =	wrdreg s3  }
0xa9: {  	[dreg:$0x3] =	wrdreg s5  }
0xaa: {  	[dreg:$0x4] =	wrdreg $0xC0  }
0xab: {  	_ =	task [dreg:s7], $0x5FFFF  }
0xac: {  	[dreg:$0x1] =	wrdreg $0xFFFFFFFF  }
0xad: {  	[dreg:$0x0] =	wrdreg $0x60  }
0xae: {  	[dreg:$0x2] =	wrdreg s2  }
0xaf: {  	[dreg:$0x3] =	wrdreg s24  }
0xb0: {  	[dreg:$0x4] =	wrdreg $0x9  }
0xb1: {  	_ =	task.clear_ibuf [dreg:s7], $0x5FFFF;
	_ =	strace $0x90000046  }
0xb2: {  	s29 =	simm.s32 $0x9;
	_ =	strace $0x80000048  }
0xb3: {  	_ =	swait.ge [sflag:s29], $0x1  }
0xb4: {  	[sflag:s29] =	ssyncadd.s32 $0xFFFFFFFF  }
0xb5: {  	_ =	strace $0x90000048  }
0xb6: {  	_ =	sfence  }
0xb7: {  	s30 =	sld [smem:$0x0];
	_ =	sdelay $0x2  }
0xb8: {  	s31 =	sshll.u32 s1, $0xD;
	s1 =	sshrl.u32 s1, $0x2  }
0xb9: {  	s3 =	sand.u32 $0x4000, s31;
	s1 =	sadd.s32 s1, s30  }
0xba: {  	s0 =	sor.u32 s3, s0;
	s1 =	sshll.u32 s1, $0x11  }
0xbb: {  	s0 =	sor.u32 s1, s0  }
0xbc: {  	s0 =	sadd.s32 $0x8F2B, s0  }
0xbd: {  	[sflag:s0] =	ssyncadd.remote.s32 $0x1  }
0xbe: {  	_ =	sfence.sel $0xFFFF  }
0xbf: {  	[dreg:$0x0] =	wrdreg $0xFFFFFFFF;
	(pc) =	sbr.abs _section_cstart, $3  }
0xc0: {  	[dreg:$0x1] =	wrdreg $0xFFFFFFFF  }
0xc1: {  	_ =	task.clear_ibuf [dreg:s7], $0x2FFFF;
	_ =	strace $0x9FFFFFFF  }
0xc2: {  	(tm) =	ssettm $0x7FFFFFFF  }
0xc3: {  	_ =	shalt  }
tec
execute0_lowered:
.L_overlay_start_1:
0x0: {  	(tag) =	ssettag $0x1  }
0x1: {  	s4 =	rddreg [dreg:$0x0];
	s1 =	srdreg.scid  }
0x2: {  	s0 =	stileid.u32;
	s3 =	rddreg [dreg:$0x1];
	s2 =	simm.s32 $0x0  }
0x3: {  	s14 =	sand.u32 $0x1, s1;
	s5 =	sshll.u32 s0, $0x1;
	[smem:$0x7FF] =	sst s2  }
0x4: {  	s15 =	sadd.s32 $0x400, s3;
	s16 =	smul.u32 $0xD000, s0;
	s8 =	sor.u32 s14, s5  }
0x5: {  	s17 =	sadd.s32 $0x4F5E00, s3;
	s18 =	ssub.s32 $0x2, s14;
	s9 =	smul.u32 $0xD, s8  }
0x6: {  	_ =	strace $0x80000047;
	s6 =	sshrl.u32 s18, $0x1;
	s21 =	smul.u32 $0x27AC4, s8  }
0x7: {  	s24 =	smul.u32 $0x6800, s8;
	s16 =	sadd.s32 s16, s17;
	s11 =	ssub.s32 s18, s6  }
0x8: {  	s18 =	smul.u32 $0x6800, s14;
	s3 =	sshrl.u32 s9, $0x4;
	s7 =	sshll.u32 s9, $0x7  }
0x9: {  	s12 =	sadd.s32 $0x1, s9;
	s25 =	sadd.s32 $0x2, s9;
	s10 =	smin.u32 s3, $0x18  }
0xa: {  	s19 =	sand.u32 $0xF800, s7;
	s23 =	sshrl.u32 s12, $0x4;
	s13 =	smul.u32 $0x30D4, s12  }
0xb: {  	s7 =	smax.u32 s11, $0x1;
	s26 =	sshrl.u32 s25, $0x4;
	s12 =	sshll.u32 s12, $0xB  }
0xc: {  	s29 =	sadd.s32 s18, s16;
	s18 =	simm.s32 $0x4000;
	s25 =	simm.s32 $0x0  }
0xd: {  	s20 =	sshll.u32 s10, $0xB;
	s22 =	sadd.s32 s4, s19;
	s10 =	ssub.s32 s23, s3  }
0xe: {  	s28 =	ssub.s32 s26, s3;
	s19 =	smul.u32 $0x4F588, s0;
	s11 =	sadd.s32 s17, s12  }
0xf: {  	s23 =	simm.s32 $0x4;
	s6 =	sadd.s32 s20, s4;
	[dreg:$0x3] =	wrdreg s22  }
0x10: {  	s10 =	sshll.u32 s10, $0x10;
	s9 =	sadd.s32 s15, s13;
	s20 =	smul.u32 $0x1A, s0  }
0x11: {  	s13 =	sshll.u32 s28, $0x10;
	s22 =	smul.u32 $0x27AC4, s14;
	s5 =	sadd.s32 $0x800, s6  }
0x12: {  	s6 =	sadd.s32 s15, s21;
	s8 =	sshra.s32 s10, $0x2;
	s10 =	sadd.s32 s17, s24  }
0x13: {  	s12 =	sshra.s32 s13, $0x2;
	s21 =	smul.u32 $0xD, s14;
	s15 =	sadd.s32 s19, s15  }
.Ltmp0:
0x14: {  	s14 =	sadd.s32 $0x1000, s29;
	s19 =	simm.s32 $0x8000;
	(pc) =	sbr.rel .LBB2_1-.Ltmp0, $4  }
0x15: {  	s24 =	simm.s32 $0x5;
	s13 =	sadd.s32 $0x61A8, s6;
	s30 =	sadd.s32 s21, s20  }
0x16: {  	s15 =	sadd.s32 s22, s15;
	s22 =	simm.s32 $0x3;
	s31 =	sshll.u32 s30, $0xB  }
0x17: {  	s15 =	sadd.s32 $0xC350, s15;
	s20 =	simm.s32 $0xC000;
	s17 =	sadd.s32 s17, s31  }
0x18: {  	s21 =	simm.s32 $0x2;
	s16 =	sadd.s32 $0x4, s30;
	s17 =	sadd.s32 $0x1800, s17  }
.LBB2_4:
0x19: {  	s25 =	sadd.s32 $0x1, s25  }
0x1a: {  	p0 =	sne.s32 s25, s7  }
.Ltmp1:
0x1b: {  	_ = 	snop;
	(pc) =	sbr.rel @!p0 .LBB2_5-.Ltmp1, $1  }
0x1c: {  	_ =	sdelay $0x3  }
.LBB2_1:
0x1d: {  	s0 =	rddreg [dreg:$0x3]  }
0x1e: {  	[tilespmem:s2], [sflag:$0x1] =	stream.linear.gather [hbm4b:s0+s2], $0x4000, $0x38;
	[tilespmem:$0x10000] =	vst v63  }
0x1f: {  	s26 =	simm.s32 $0x1  }
0x20: {  	[tilespmem:s18], [sflag:$0x1] =	stream.linear.gather [hbm4b:s5+s2], $0x4000, $0x38;
	[tilespmem:$0x10000] =	vst v63  }
0x21: {  	_ =	swait.ge [sflag:s26], $0x4000  }
0x22: {  	[sflag:s26] =	ssyncset.done $0x0  }
0x23: {  	[sflag:s26] =	ssyncadd.s32 $0xFFFFC000  }
0x24: {  	_ =	swait.ge [sflag:s26], $0x4000  }
0x25: {  	[sflag:s26] =	ssyncset.done $0x0  }
0x26: {  	[sflag:s26] =	ssyncadd.s32 $0xFFFFC000  }
0x27: {  	[tilespmem:s19], [sflag:$0x2] =	stream.indirect.gather [hbm4b:s6+s18], $0x1, s2, s18, $0xb8;
	[tilespmem:$0x10000] =	vst v63  }
0x28: {  	_ = 	snop  }
0x29: {  	[tilespmem:s20], [sflag:$0x3] =	stream.indirect.gather [hbm4b:s9+s18], $0x1, s8, s18, $0xb8;
	[tilespmem:$0x10000] =	vst v63  }
0x2a: {  	_ =	swait.ge [sflag:s21], $0x4000  }
0x2b: {  	[sflag:s21] =	ssyncset.done $0x0  }
0x2c: {  	[sflag:s21] =	ssyncadd.s32 $0xFFFFC000  }
0x2d: {  	[hbm4b:s10+s2] =	stream.linear.scatter [tilespmem:s19], [sflag:$0x4], $0x4000, $0x38;
	[tilespmem:$0x10000] =	vst v63  }
0x2e: {  	_ =	swait.ge [sflag:s22], $0x4000  }
0x2f: {  	[sflag:s22] =	ssyncset.done $0x0  }
0x30: {  	[sflag:s22] =	ssyncadd.s32 $0xFFFFC000  }
0x31: {  	[hbm4b:s11+s2] =	stream.linear.scatter [tilespmem:s20], [sflag:$0x5], $0x4000, $0x38;
	[tilespmem:$0x10000] =	vst v63  }
0x32: {  	_ =	swait.ge [sflag:s23], $0x4000  }
0x33: {  	s28 =	smov.u32 s16;
	[sflag:s23] =	ssyncset.done $0x0  }
0x34: {  	s29 =	smov.u32 s15;
	s30 =	simm.s32 $0x0;
	[sflag:s23] =	ssyncadd.s32 $0xFFFFC000  }
0x35: {  	[tilespmem:s19], [sflag:$0x2] =	stream.indirect.gather [hbm4b:s13+s18], $0x1, s12, s18, $0xb8;
	[tilespmem:$0x10000] =	vst v63  }
.LBB2_2:
0x36: {  	_ =	swait.ge [sflag:s24], $0x4000  }
0x37: {  	p0 =	sgt.u32 s26, $0x5;
	[sflag:s24] =	ssyncset.done $0x0  }
0x38: {  	s31 =	simm.s32 @p0 $0x2;
	[sflag:s24] =	ssyncadd.s32 $0xFFFFC000  }
0x39: {  	_ =	swait.ge @p0 [sflag:s31], $0x4000  }
0x3a: {  	s1 =	simm.s32 @p0 $0x0;
	[sflag:s31] =	ssyncset.done @p0 $0x0  }
0x3b: {  	s0 =	simm.s32 @p0 $0x8000;
	[sflag:s31] =	ssyncadd.s32 @p0 $0xFFFFC000;
	s31 =	sadd.s32 @p0 s30, s14  }
0x3c: {  	[hbm4b:s31+s1] =	stream.linear.scatter @p0 [tilespmem:s0], [sflag:$0x4], $0x4000, $0x38;
	[tilespmem:$0x10000] =	vst v63  }
0x3d: {  	s0 =	sadd.s32 @!p0 $0xFFFFFFFF, s28  }
0x3e: {  	s0 =	sshrl.u32 @!p0 s0, $0x4  }
0x3f: {  	s0 =	ssub.s32 @!p0 s0, s3  }
0x40: {  	s4 =	simm.s32 @!p0 $0xC000;
	s0 =	sshll.u32 @!p0 s0, $0x10  }
0x41: {  	s1 =	sadd.s32 @!p0 $0xFFFFCF2C, s29;
	s31 =	simm.s32 @!p0 $0x4000;
	s0 =	sshra.s32 @!p0 s0, $0x2  }
0x42: {  	[tilespmem:s4], [sflag:$0x3] =	stream.indirect.gather @!p0 [hbm4b:s1+s31], $0x1, s0, s31, $0xb8;
	[tilespmem:$0x10000] =	vst v63  }
0x43: {  	s0 =	simm.s32 @!p0 $0x2  }
0x44: {  	_ =	swait.ge @!p0 [sflag:s0], $0x4000  }
0x45: {  	s1 =	simm.s32 @!p0 $0x0;
	[sflag:s0] =	ssyncset.done @!p0 $0x0  }
0x46: {  	s31 =	simm.s32 @!p0 $0x8000;
	[sflag:s0] =	ssyncadd.s32 @!p0 $0xFFFFC000;
	s0 =	sadd.s32 @!p0 s30, s14  }
0x47: {  	[hbm4b:s0+s1] =	stream.linear.scatter @!p0 [tilespmem:s31], [sflag:$0x4], $0x4000, $0x38;
	[tilespmem:$0x10000] =	vst v63  }
0x48: {  	s0 =	simm.s32 @!p0 $0x3  }
0x49: {  	_ =	swait.ge @!p0 [sflag:s0], $0x4000  }
0x4a: {  	[sflag:s0] =	ssyncset.done @!p0 $0x0  }
0x4b: {  	[sflag:s0] =	ssyncadd.s32 @!p0 $0xFFFFC000;
	s0 =	sadd.s32 @!p0 s30, s17  }
0x4c: {  	[hbm4b:s0+s1] =	stream.linear.scatter @!p0 [tilespmem:s4], [sflag:$0x5], $0x4000, $0x38;
	[tilespmem:$0x10000] =	vst v63  }
0x4d: {  	p0 =	seq.s32 s30, $0x5000  }
.Ltmp2:
0x4e: {  	_ = 	snop;
	(pc) =	sbr.rel @p0 .LBB2_4-.Ltmp2, $4  }
0x4f: {  	_ = 	snop  }
0x50: {  	_ =	swait.ge [sflag:s23], $0x4000  }
0x51: {  	[sflag:s23] =	ssyncset.done $0x0  }
0x52: {  	[sflag:s23] =	ssyncadd.s32 $0xFFFFC000  }
0x53: {  	s0 =	sshrl.u32 s28, $0x4  }
.Ltmp3:
0x54: {  	s0 =	ssub.s32 s0, s3;
	(pc) =	sbr.rel .LBB2_2-.Ltmp3, $4  }
0x55: {  	s0 =	sshll.u32 s0, $0x10  }
0x56: {  	s26 =	sadd.s32 $0x1, s26;
	s0 =	sshra.s32 s0, $0x2  }
0x57: {  	[tilespmem:s19], [sflag:$0x2] =	stream.indirect.gather [hbm4b:s29+s18], $0x1, s0, s18, $0xb8;
	[tilespmem:$0x10000] =	vst v63  }
0x58: {  	s30 =	sadd.s32 $0x1000, s30;
	s28 =	sadd.s32 $0x2, s28;
	s29 =	sadd.s32 $0x61A8, s29  }
.LBB2_5:
0x59: {  	_ =	sfence.sel $0x180000  }
0x5a: {  	[bflag:$0x0] =	sbarrier.arrive $0xFFFF  }
0x5b: {  	_ =	strace $0x90000047  }
0x5c: {  	s0 =	stileid.u32;
	[bflag:$0x2] =	sbarrier.arrive $0xFFFF  }
0x5d: {  	p0 =	sne.s32 s0, $0x0;
	s0 =	rddreg [dreg:$0x2]  }
0x5e: {  	s0 =	sadd.s32 @!p0 $0x100000, s0  }
0x5f: {  	[sflag:s0] =	ssyncadd.tile.s32 @!p0 $0x1;
	_ =	shalt  }
.Lfunc_end2:
_tile_overlayer_lowered:
.L_overlay_start_2:
0x60: {  	(tag) =	ssettag $0x2  }
0x61: {  	s0 =	rddreg [dreg:$0x0];
	s2 =	stileid.u32  }
0x62: {  	s1 =	rddreg [dreg:$0x1];
	p0 =	sne.s32 s2, $0x0  }
0x63: {  	s3 =	rddreg [dreg:$0x2];
	[bflag:$0x3] =	sbarrier.arrive $0xFFFF;
	s2 =	simm.s32 @!p0 $0x1C06  }
0x64: {  	[timem:s3], [sflag:s2] =	dma.local @!p0 [hbm:s0], s1  }
0x65: {  	s0 =	simm.s32 @!p0 $0x6  }
0x66: {  	_ =	swait.ge @!p0 [sflag:s0], s1  }
0x67: {  	s1 =	ssub.s32 @!p0 $0x0, s1;
	[sflag:s0] =	ssyncset.done @!p0 $0x0  }
0x68: {  	[sflag:s0] =	ssyncadd.s32 @!p0 s1  }
0x69: {  	[bflag:$0x3] =	sbarrier.arrive $0xFFFF  }
0x6a: {  	_ =	shalt  }

</sc_bundles>
